<compile_context>
chip_gen: v7x
topology: tpu7x:2x2x1
jax: 0.10.2.dev20260603
libtpu: 0.0.44.dev20260713+nightly
codegen_flags: <defaults>
</compile_context>

<pallas_src>
import functools

import jax
import jax.numpy as jnp
from jax import lax
from jax.experimental import pallas as pl
from jax.experimental.pallas import tpu as pltpu
from jax.experimental.pallas import tpu_sc as plsc

_N = 8192
_A = 1.1201
_B = 0.7990

_NC = 2
_NS = 16
_NW = _NC * _NS
_TOTAL = 16384
_BPW = _TOTAL // _NW
_CHUNK = 128
_NCHUNK = _BPW // _CHUNK
_NLINES = _N * _N // 16


@functools.lru_cache(maxsize=None)
def _make_sc_gather():
    mesh = plsc.VectorSubcoreMesh(core_axis_name="c", subcore_axis_name="s")

    @functools.partial(
        pl.kernel,
        mesh=mesh,
        out_type=jax.ShapeDtypeStruct((_TOTAL,), jnp.float32),
        compiler_params=pltpu.CompilerParams(
            needs_layout_passes=False, use_tc_tiling_on_sc=False),
        scratch_types=[
            pltpu.VMEM((_BPW,), jnp.int32),
            pltpu.VMEM((_BPW,), jnp.int32),
            pltpu.VMEM((_NCHUNK, _CHUNK), jnp.int32),
            pltpu.VMEM((_BPW, 16), jnp.float32),
            pltpu.VMEM((_BPW,), jnp.float32),
            pltpu.SemaphoreType.DMA,
            pltpu.SemaphoreType.DMA,
            pltpu.SemaphoreType.DMA,
        ],
    )
    def _sc_gather(lines_hbm, ind1_hbm, ind2_hbm, high_hbm, i1_v, i2_v, q_v,
                   vals_v, out_v, sem, sem_idx, sem_out):
        wid = lax.axis_index("s") * _NC + lax.axis_index("c")
        base = wid * _BPW
        idx1 = pltpu.make_async_copy(ind1_hbm.at[pl.ds(base, _BPW)], i1_v,
                                     sem_idx)
        idx2 = pltpu.make_async_copy(ind2_hbm.at[pl.ds(base, _BPW)], i2_v,
                                     sem_idx)
        idx1.start()
        idx2.start()
        idx1.wait()
        idx2.wait()

        lane16 = lax.iota(jnp.int32, 16)

        def math_chunk(j, _):
            def math_vec(k, _):
                off = pl.multiple_of(j * _CHUNK + k * 16, 16)
                sl = pl.ds(off, 16)
                row = i1_v[sl]
                col = i2_v[sl]
                q = (((row >> 3) * (_N // 128) + (col >> 7)) * 64
                     + ((row & 7) << 3) + ((col >> 4) & 7))
                q_v[j, pl.ds(pl.multiple_of(k * 16, 16), 16)] = q
                return _

            lax.fori_loop(0, _CHUNK // 16, math_vec, 0)
            pltpu.async_copy(
                lines_hbm.at[q_v.at[j]],
                vals_v.at[pl.ds(pl.multiple_of(j * _CHUNK, _CHUNK), _CHUNK)],
                sem)
            return _

        lax.fori_loop(0, _NCHUNK, math_chunk, 0)

        def extract_chunk(j, _):
            coff = pl.multiple_of(j * _CHUNK, _CHUNK)
            pltpu.make_async_copy(
                lines_hbm.at[q_v.at[j]],
                vals_v.at[pl.ds(coff, _CHUNK)], sem).wait()

            def extract_vec(k, _):
                off = pl.multiple_of(j * _CHUNK + k * 16, 16)
                sl = pl.ds(off, 16)
                rows16 = lane16 + off
                out_v[sl] = plsc.load_gather(vals_v,
                                             [rows16, i2_v[sl] & 15])
                return _

            lax.fori_loop(0, _CHUNK // 16, extract_vec, 0)
            pltpu.async_copy(
                out_v.at[pl.ds(coff, _CHUNK)],
                high_hbm.at[pl.ds(base + coff, _CHUNK)], sem_out)
            return _

        lax.fori_loop(0, _NCHUNK, extract_chunk, 0)

        pltpu.make_async_copy(out_v, high_hbm.at[pl.ds(base, _BPW)],
                              sem_out).wait()

    return _sc_gather


def _lowdim_body(x1_ref, y1_ref, x2_ref, y2_ref, out_ref):
    dx = x1_ref[...] - x2_ref[...]
    dy = y1_ref[...] - y2_ref[...]
    s = dx * dx + dy * dy
    powed = jnp.exp(_B * jnp.log(s))
    out_ref[...] = 1.0 / (1.0 + _A * powed)


def kernel(p1, p2, ind1, ind2, sym_prob):
    lines = sym_prob.reshape(1024, 8, 64, 128).transpose(0, 2, 1, 3) \
        .reshape(_NLINES, 16)
    high = _make_sc_gather()(lines, ind1.astype(jnp.int32),
                             ind2.astype(jnp.int32))

    x1 = p1[:, 0].reshape(128, 128)
    y1 = p1[:, 1].reshape(128, 128)
    x2 = p2[:, 0].reshape(128, 128)
    y2 = p2[:, 1].reshape(128, 128)
    low = pl.pallas_call(
        _lowdim_body,
        out_shape=jax.ShapeDtypeStruct((128, 128), jnp.float32),
    )(x1, y1, x2, y2).reshape(_TOTAL)
    return (low, high)

# --- scband reference (transcript-rebuilt; emitter-appended) ---
"""Pipeline reference for scband-property-calculator-umap-11630771437847 (READ-ONLY COPY).

The authoritative reference and input builder live on the scoring server;
editing this copy changes nothing except your own understanding.
"""

import jax, jax.numpy as jnp
import numpy as np

N = 8192
A = 1.1201  # fitted UMAP 'a' for min_distance=0.25
B = 0.7990  # fitted UMAP 'b' for min_distance=0.25

def setup_inputs(seed: int = 0) -> dict:
    key = jax.random.key(seed)
    k1, k2, k3, k4, k5 = jax.random.split(key, 5)
    p1 = jax.random.normal(k1, (16384, 2), dtype=jnp.float32)
    p2 = jax.random.normal(k2, (16384, 2), dtype=jnp.float32)
    ind1 = jax.random.randint(k3, (16384,), 0, N, dtype=jnp.int64 if jax.config.jax_enable_x64 else jnp.int32)
    ind2 = jax.random.randint(k4, (16384,), 0, N, dtype=jnp.int64 if jax.config.jax_enable_x64 else jnp.int32)
    # precomputed symmetric high-dimensional probabilities (set by calculate_high_dim_property)
    sym_prob = jax.random.uniform(k5, (N, N), dtype=jnp.float32)
    return {"p1": p1, "p2": p2, "ind1": ind1, "ind2": ind2, "sym_prob": sym_prob}

def reference(p1, p2, ind1, ind2, sym_prob):
    # low dimensional property: probability of being neighbours
    diff = p1 - p2
    distance = jnp.sqrt(jnp.sum(diff * diff, axis=1))
    low_dim_property = jnp.power(1.0 + A * jnp.power(distance, 2.0 * B), -1.0)
    # high dimensional property: gather from precomputed symmetric probability matrix
    high_dim_property = sym_prob[ind1, ind2].astype(jnp.float32)
    return (low_dim_property, high_dim_property)

if __name__ == "__main__":
    import jax
    _d = setup_inputs()
    print(jax.jit(kernel)(*tuple(_d.values())))

</pallas_src>

<mosaic_0001>
#map = affine_map<(d0, d1) -> (0, 0)>
#map1 = affine_map<(d0, d1) -> (0)>
module attributes {stable_mosaic.version = 14 : i64} {
  func.func @_sc_gather(%arg0: i32, %arg1: i32, %arg2: memref<4194304x16xf32, #tpu.memory_space<hbm>>, %arg3: memref<16384xi32, #tpu.memory_space<hbm>>, %arg4: memref<16384xi32, #tpu.memory_space<hbm>>, %arg5: memref<16384xf32, #tpu.memory_space<hbm>>, %arg6: memref<512xi32, #tpu.memory_space<vmem>>, %arg7: memref<512xi32, #tpu.memory_space<vmem>>, %arg8: memref<4x128xi32, #tpu.memory_space<vmem>>, %arg9: memref<512x16xf32, #tpu.memory_space<vmem>>, %arg10: memref<512xf32, #tpu.memory_space<vmem>>, %arg11: memref<!tpu.dma_semaphore, #tpu.memory_space<semaphore_mem>>, %arg12: memref<!tpu.dma_semaphore, #tpu.memory_space<semaphore_mem>>, %arg13: memref<!tpu.dma_semaphore, #tpu.memory_space<semaphore_mem>>) attributes {dimension_semantics = [#tpu.dimension_semantics<core_parallel>, #tpu.dimension_semantics<subcore_parallel>], iteration_bounds = array<i64: 2, 16>, scalar_prefetch = 0 : i64, scratch_operands = 8 : i64, tpu.core_type = #tpu.core_type<sc_vector_subcore>, window_params = [{transform_indices = #map}, {transform_indices = #map1}, {transform_indices = #map1}, {transform_indices = #map1}]} {
    %mul3A = arith.constant 2 : i32
    %mul3A_0 = arith.muli %arg1, %mul3A : i32
    %add3A = arith.addi %mul3A_0, %arg0 : i32
    %mul3A_1 = arith.constant 512 : i32
    %mul3A_2 = arith.muli %add3A, %mul3A_1 : i32
    %dma_start3A = tpu.memref_slice %arg3[%mul3A_2] : memref<16384xi32, #tpu.memory_space<hbm>> -> memref<512xi32, #tpu.memory_space<hbm>>
    %dma_start3A_3 = tpu.memref_slice %arg3[%mul3A_2] : memref<16384xi32, #tpu.memory_space<hbm>> -> memref<512xi32, #tpu.memory_space<hbm>>
    tpu.enqueue_dma source(%dma_start3A_3 : memref<512xi32, #tpu.memory_space<hbm>>) target(%arg6 : memref<512xi32, #tpu.memory_space<vmem>>) target_semaphore(%arg12 : memref<!tpu.dma_semaphore, #tpu.memory_space<semaphore_mem>>)
    %dma_start3A_4 = tpu.memref_slice %arg4[%mul3A_2] : memref<16384xi32, #tpu.memory_space<hbm>> -> memref<512xi32, #tpu.memory_space<hbm>>
    %dma_start3A_5 = tpu.memref_slice %arg4[%mul3A_2] : memref<16384xi32, #tpu.memory_space<hbm>> -> memref<512xi32, #tpu.memory_space<hbm>>
    tpu.enqueue_dma source(%dma_start3A_5 : memref<512xi32, #tpu.memory_space<hbm>>) target(%arg7 : memref<512xi32, #tpu.memory_space<vmem>>) target_semaphore(%arg12 : memref<!tpu.dma_semaphore, #tpu.memory_space<semaphore_mem>>)
    %dma_wait3A = tpu.memref_slice %arg3[%mul3A_2] : memref<16384xi32, #tpu.memory_space<hbm>> -> memref<512xi32, #tpu.memory_space<hbm>>
    %dma_wait3A_6 = tpu.memref_slice %arg3[%mul3A_2] : memref<16384xi32, #tpu.memory_space<hbm>> -> memref<512xi32, #tpu.memory_space<hbm>>
    tpu.wait_dma2 semaphore(%arg12 : memref<!tpu.dma_semaphore, #tpu.memory_space<semaphore_mem>>) src(%dma_wait3A_6 : memref<512xi32, #tpu.memory_space<hbm>>) dst(%arg6 : memref<512xi32, #tpu.memory_space<vmem>>)
    %dma_wait3A_7 = tpu.memref_slice %arg4[%mul3A_2] : memref<16384xi32, #tpu.memory_space<hbm>> -> memref<512xi32, #tpu.memory_space<hbm>>
    %dma_wait3A_8 = tpu.memref_slice %arg4[%mul3A_2] : memref<16384xi32, #tpu.memory_space<hbm>> -> memref<512xi32, #tpu.memory_space<hbm>>
    tpu.wait_dma2 semaphore(%arg12 : memref<!tpu.dma_semaphore, #tpu.memory_space<semaphore_mem>>) src(%dma_wait3A_8 : memref<512xi32, #tpu.memory_space<hbm>>) dst(%arg7 : memref<512xi32, #tpu.memory_space<vmem>>)
    %iota3A = tpu.iota {dimensions = array<i32: 0>} : vector<16xi32>
    %scan3A = arith.constant 0 : i32
    %scan3A_9 = arith.constant 0 : i32
    %scan3A_10 = arith.constant 4 : i32
    %scan3A_11 = arith.addi %scan3A_9, %scan3A_10 : i32
    %scan3A_12 = arith.constant 1 : i32
    scf.for %scan3A_22 = %scan3A_9 to %scan3A_11 step %scan3A_12  : i32 {
      %scan3A_23 = arith.constant 0 : i32
      %scan3A_24 = arith.constant 0 : i32
      %scan3A_25 = arith.constant 8 : i32
      %scan3A_26 = arith.addi %scan3A_24, %scan3A_25 : i32
      %scan3A_27 = arith.constant 1 : i32
      scf.for %scan3A_39 = %scan3A_24 to %scan3A_26 step %scan3A_27  : i32 {
        %mul3A_40 = arith.constant 128 : i32
        %mul3A_41 = arith.muli %scan3A_22, %mul3A_40 : i32
        %mul3A_42 = arith.constant 16 : i32
        %mul3A_43 = arith.muli %scan3A_39, %mul3A_42 : i32
        %add3A_44 = arith.addi %mul3A_41, %mul3A_43 : i32
        %multiple_of3A_45 = tpu.assume_multiple %add3A_44, 16 : i32
        %get3A = arith.index_cast %multiple_of3A_45 : i32 to index
        %get3A_46 = tpu.vector_load %arg6[%get3A] {strides = array<i32>} : memref<512xi32, #tpu.memory_space<vmem>>, vector<16xi32>,
        %get3A_47 = arith.index_cast %multiple_of3A_45 : i32 to index
        %get3A_48 = tpu.vector_load %arg7[%get3A_47] {strides = array<i32>} : memref<512xi32, #tpu.memory_space<vmem>>, vector<16xi32>,
        %shift_right_arithmetic3A = arith.constant 3 : i32
        %shift_right_arithmetic3A_49 = vector.broadcast %shift_right_arithmetic3A : i32 to vector<16xi32>
        %shift_right_arithmetic3A_50 = arith.shrsi %get3A_46, %shift_right_arithmetic3A_49 : vector<16xi32>
        %mul3A_51 = arith.constant 64 : i32
        %mul3A_52 = vector.broadcast %mul3A_51 : i32 to vector<16xi32>
        %mul3A_53 = arith.muli %shift_right_arithmetic3A_50, %mul3A_52 : vector<16xi32>
        %shift_right_arithmetic3A_54 = arith.constant 7 : i32
        %shift_right_arithmetic3A_55 = vector.broadcast %shift_right_arithmetic3A_54 : i32 to vector<16xi32>
        %shift_right_arithmetic3A_56 = arith.shrsi %get3A_48, %shift_right_arithmetic3A_55 : vector<16xi32>
        %add3A_57 = arith.addi %mul3A_53, %shift_right_arithmetic3A_56 : vector<16xi32>
        %mul3A_58 = arith.constant 64 : i32
        %mul3A_59 = vector.broadcast %mul3A_58 : i32 to vector<16xi32>
        %mul3A_60 = arith.muli %add3A_57, %mul3A_59 : vector<16xi32>
        %and3A = arith.constant 7 : i32
        %and3A_61 = vector.broadcast %and3A : i32 to vector<16xi32>
        %and3A_62 = arith.andi %get3A_46, %and3A_61 : vector<16xi32>
        %shift_left3A = arith.constant 3 : i32
        %shift_left3A_63 = vector.broadcast %shift_left3A : i32 to vector<16xi32>
        %shift_left3A_64 = arith.shli %and3A_62, %shift_left3A_63 : vector<16xi32>
        %add3A_65 = arith.addi %mul3A_60, %shift_left3A_64 : vector<16xi32>
        %shift_right_arithmetic3A_66 = arith.constant 4 : i32
        %shift_right_arithmetic3A_67 = vector.broadcast %shift_right_arithmetic3A_66 : i32 to vector<16xi32>
        %shift_right_arithmetic3A_68 = arith.shrsi %get3A_48, %shift_right_arithmetic3A_67 : vector<16xi32>
        %and3A_69 = arith.constant 7 : i32
        %and3A_70 = vector.broadcast %and3A_69 : i32 to vector<16xi32>
        %and3A_71 = arith.andi %shift_right_arithmetic3A_68, %and3A_70 : vector<16xi32>
        %add3A_72 = arith.addi %add3A_65, %and3A_71 : vector<16xi32>
        %mul3A_73 = arith.constant 16 : i32
        %mul3A_74 = arith.muli %scan3A_39, %mul3A_73 : i32
        %multiple_of3A_75 = tpu.assume_multiple %mul3A_74, 16 : i32
        %swap3A = arith.index_cast %scan3A_22 : i32 to index
        %swap3A_76 = arith.index_cast %multiple_of3A_75 : i32 to index
        %swap3A_77 = tpu.vector_load %arg8[%swap3A, %swap3A_76] {strides = array<i32>} : memref<4x128xi32, #tpu.memory_space<vmem>>, vector<16xi32>,
        tpu.vector_store %arg8[%swap3A, %swap3A_76], %add3A_72 {strides = array<i32>} : memref<4x128xi32, #tpu.memory_space<vmem>>, vector<16xi32>,
      }
      %scan3A_28 = arith.constant 8 : i32
      %mul3A_29 = arith.constant 128 : i32
      %mul3A_30 = arith.muli %scan3A_22, %mul3A_29 : i32
      %multiple_of3A = tpu.assume_multiple %mul3A_30, 128 : i32
      %dma_start3A_31 = arith.constant 0 : i32
      %dma_start3A_32 = tpu.memref_slice %arg9[%multiple_of3A, %dma_start3A_31] : memref<512x16xf32, #tpu.memory_space<vmem>> -> memref<128x16xf32, #tpu.memory_space<vmem>>
      %dma_start3A_33 = arith.constant 0 : i32
      %dma_start3A_34 = tpu.memref_slice %arg8[%scan3A_22, %dma_start3A_33] : memref<4x128xi32, #tpu.memory_space<vmem>> -> memref<1x128xi32, #tpu.memory_space<vmem>>
      %dma_start3A_35 = tpu.memref_squeeze %dma_start3A_34 : memref<1x128xi32, #tpu.memory_space<vmem>> -> memref<128xi32, #tpu.memory_space<vmem>>
      %dma_start3A_36 = arith.constant 0 : i32
      %dma_start3A_37 = arith.constant 0 : i32
      %dma_start3A_38 = tpu.memref_slice %arg2[%dma_start3A_36, %dma_start3A_37] : memref<4194304x16xf32, #tpu.memory_space<hbm>> -> memref<4194304x16xf32, #tpu.memory_space<hbm>>
      tpu.enqueue_indirect_dma source(%dma_start3A_38 : memref<4194304x16xf32, #tpu.memory_space<hbm>>) target(%dma_start3A_32 : memref<128x16xf32, #tpu.memory_space<vmem>>) offsets(%dma_start3A_35 : memref<128xi32, #tpu.memory_space<vmem>>) semaphore(%arg11 : memref<!tpu.dma_semaphore, #tpu.memory_space<semaphore_mem>>)
    }
    %scan3A_13 = arith.constant 4 : i32
    %scan3A_14 = arith.constant 0 : i32
    %scan3A_15 = arith.constant 0 : i32
    %scan3A_16 = arith.constant 4 : i32
    %scan3A_17 = arith.addi %scan3A_15, %scan3A_16 : i32
    %scan3A_18 = arith.constant 1 : i32
    scf.for %scan3A_22 = %scan3A_15 to %scan3A_17 step %scan3A_18  : i32 {
      %mul3A_23 = arith.constant 128 : i32
      %mul3A_24 = arith.muli %scan3A_22, %mul3A_23 : i32
      %multiple_of3A = tpu.assume_multiple %mul3A_24, 128 : i32
      %dma_wait3A_25 = arith.constant 0 : i32
      %dma_wait3A_26 = tpu.memref_slice %arg9[%multiple_of3A, %dma_wait3A_25] : memref<512x16xf32, #tpu.memory_space<vmem>> -> memref<128x16xf32, #tpu.memory_space<vmem>>
      %dma_wait3A_27 = arith.constant 0 : i32
      %dma_wait3A_28 = tpu.memref_slice %arg8[%scan3A_22, %dma_wait3A_27] : memref<4x128xi32, #tpu.memory_space<vmem>> -> memref<1x128xi32, #tpu.memory_space<vmem>>
      %dma_wait3A_29 = tpu.memref_squeeze %dma_wait3A_28 : memref<1x128xi32, #tpu.memory_space<vmem>> -> memref<128xi32, #tpu.memory_space<vmem>>
      %dma_wait3A_30 = arith.constant 0 : i32
      %dma_wait3A_31 = arith.constant 0 : i32
      %dma_wait3A_32 = tpu.memref_slice %arg2[%dma_wait3A_30, %dma_wait3A_31] : memref<4194304x16xf32, #tpu.memory_space<hbm>> -> memref<4194304x16xf32, #tpu.memory_space<hbm>>
      tpu.wait_indirect_dma semaphore(%arg11 : memref<!tpu.dma_semaphore, #tpu.memory_space<semaphore_mem>>) src(%dma_wait3A_32 : memref<4194304x16xf32, #tpu.memory_space<hbm>>) dst(%dma_wait3A_26 : memref<128x16xf32, #tpu.memory_space<vmem>>)
      %scan3A_33 = arith.constant 0 : i32
      %scan3A_34 = arith.constant 0 : i32
      %scan3A_35 = arith.constant 8 : i32
      %scan3A_36 = arith.addi %scan3A_34, %scan3A_35 : i32
      %scan3A_37 = arith.constant 1 : i32
      scf.for %scan3A_44 = %scan3A_34 to %scan3A_36 step %scan3A_37  : i32 {
        %mul3A_45 = arith.constant 128 : i32
        %mul3A_46 = arith.muli %scan3A_22, %mul3A_45 : i32
        %mul3A_47 = arith.constant 16 : i32
        %mul3A_48 = arith.muli %scan3A_44, %mul3A_47 : i32
        %add3A_49 = arith.addi %mul3A_46, %mul3A_48 : i32
        %multiple_of3A_50 = tpu.assume_multiple %add3A_49, 16 : i32
        %add3A_51 = vector.broadcast %multiple_of3A_50 : i32 to vector<16xi32>
        %add3A_52 = arith.addi %iota3A, %add3A_51 : vector<16xi32>
        %get3A = arith.index_cast %multiple_of3A_50 : i32 to index
        %get3A_53 = tpu.vector_load %arg7[%get3A] {strides = array<i32>} : memref<512xi32, #tpu.memory_space<vmem>>, vector<16xi32>,
        %and3A = arith.constant 15 : i32
        %and3A_54 = vector.broadcast %and3A : i32 to vector<16xi32>
        %and3A_55 = arith.andi %get3A_53, %and3A_54 : vector<16xi32>
        %gather3A = tpu.vector_load_idx %arg9[%add3A_52, %and3A_55] : memref<512x16xf32, #tpu.memory_space<vmem>>[vector<16xi32>, vector<16xi32>], vector<16xf32>,
        %swap3A = arith.index_cast %multiple_of3A_50 : i32 to index
        %swap3A_56 = tpu.vector_load %arg10[%swap3A] {strides = array<i32>} : memref<512xf32, #tpu.memory_space<vmem>>, vector<16xf32>,
        tpu.vector_store %arg10[%swap3A], %gather3A {strides = array<i32>} : memref<512xf32, #tpu.memory_space<vmem>>, vector<16xf32>,
      }
      %scan3A_38 = arith.constant 8 : i32
      %add3A_39 = arith.addi %mul3A_2, %multiple_of3A : i32
      %dma_start3A_40 = tpu.memref_slice %arg10[%multiple_of3A] : memref<512xf32, #tpu.memory_space<vmem>> -> memref<128xf32, #tpu.memory_space<vmem>>
      %dma_start3A_41 = tpu.memref_slice %arg5[%add3A_39] : memref<16384xf32, #tpu.memory_space<hbm>> -> memref<128xf32, #tpu.memory_space<hbm>>
      %dma_start3A_42 = tpu.memref_slice %arg5[%add3A_39] : memref<16384xf32, #tpu.memory_space<hbm>> -> memref<128xf32, #tpu.memory_space<hbm>>
      %dma_start3A_43 = tpu.memref_slice %arg10[%multiple_of3A] : memref<512xf32, #tpu.memory_space<vmem>> -> memref<128xf32, #tpu.memory_space<vmem>>
      tpu.enqueue_dma source(%dma_start3A_43 : memref<128xf32, #tpu.memory_space<vmem>>) target(%dma_start3A_42 : memref<128xf32, #tpu.memory_space<hbm>>) target_semaphore(%arg13 : memref<!tpu.dma_semaphore, #tpu.memory_space<semaphore_mem>>)
    }
    %scan3A_19 = arith.constant 4 : i32
    %dma_wait3A_20 = tpu.memref_slice %arg5[%mul3A_2] : memref<16384xf32, #tpu.memory_space<hbm>> -> memref<512xf32, #tpu.memory_space<hbm>>
    %dma_wait3A_21 = tpu.memref_slice %arg5[%mul3A_2] : memref<16384xf32, #tpu.memory_space<hbm>> -> memref<512xf32, #tpu.memory_space<hbm>>
    tpu.wait_dma2 semaphore(%arg13 : memref<!tpu.dma_semaphore, #tpu.memory_space<semaphore_mem>>) src(%arg10 : memref<512xf32, #tpu.memory_space<vmem>>) dst(%dma_wait3A_21 : memref<512xf32, #tpu.memory_space<hbm>>)
    return
  }
}

module attributes {stable_mosaic.version = 14 : i64} {
  func.func @_lowdim_body(%arg0: memref<128x128xf32, #tpu.memory_space<vmem>>, %arg1: memref<128x128xf32, #tpu.memory_space<vmem>>, %arg2: memref<128x128xf32, #tpu.memory_space<vmem>>, %arg3: memref<128x128xf32, #tpu.memory_space<vmem>>, %arg4: memref<128x128xf32, #tpu.memory_space<vmem>>) attributes {dimension_semantics = [], scalar_prefetch = 0 : i64, scratch_operands = 0 : i64, tpu.core_type = #tpu.core_type<tc>} {
    %get3A = arith.constant 0 : index
    %get3A_0 = arith.constant 0 : index
    %get3A_1 = vector.load %arg0[%get3A, %get3A_0] : memref<128x128xf32, #tpu.memory_space<vmem>>, vector<128x128xf32>
    %get3A_2 = arith.constant 0 : index
    %get3A_3 = arith.constant 0 : index
    %get3A_4 = vector.load %arg2[%get3A_2, %get3A_3] : memref<128x128xf32, #tpu.memory_space<vmem>>, vector<128x128xf32>
    %sub3A = arith.subf %get3A_1, %get3A_4 : vector<128x128xf32>
    %get3A_5 = arith.constant 0 : index
    %get3A_6 = arith.constant 0 : index
    %get3A_7 = vector.load %arg1[%get3A_5, %get3A_6] : memref<128x128xf32, #tpu.memory_space<vmem>>, vector<128x128xf32>
    %get3A_8 = arith.constant 0 : index
    %get3A_9 = arith.constant 0 : index
    %get3A_10 = vector.load %arg3[%get3A_8, %get3A_9] : memref<128x128xf32, #tpu.memory_space<vmem>>, vector<128x128xf32>
    %sub3A_11 = arith.subf %get3A_7, %get3A_10 : vector<128x128xf32>
    %mul3A = arith.mulf %sub3A, %sub3A : vector<128x128xf32>
    %mul3A_12 = arith.mulf %sub3A_11, %sub3A_11 : vector<128x128xf32>
    %add3A = arith.addf %mul3A, %mul3A_12 : vector<128x128xf32>
    %log3A = math.log %add3A : vector<128x128xf32>
    %mul3A_13 = arith.constant 7.990000e-01 : f32
    %mul3A_14 = vector.broadcast %mul3A_13 : f32 to vector<128x128xf32>
    %mul3A_15 = arith.mulf %mul3A_14, %log3A : vector<128x128xf32>
    %exp3A = math.exp %mul3A_15 : vector<128x128xf32>
    %mul3A_16 = arith.constant 1.120100e+00 : f32
    %mul3A_17 = vector.broadcast %mul3A_16 : f32 to vector<128x128xf32>
    %mul3A_18 = arith.mulf %mul3A_17, %exp3A : vector<128x128xf32>
    %add3A_19 = arith.constant 1.000000e+00 : f32
    %add3A_20 = vector.broadcast %add3A_19 : f32 to vector<128x128xf32>
    %add3A_21 = arith.addf %add3A_20, %mul3A_18 : vector<128x128xf32>
    %div3A = arith.constant 1.000000e+00 : f32
    %div3A_22 = vector.broadcast %div3A : f32 to vector<128x128xf32>
    %div3A_23 = arith.divf %div3A_22, %add3A_21 : vector<128x128xf32>
    %swap3A = arith.constant 0 : index
    %swap3A_24 = arith.constant 0 : index
    %swap3A_25 = vector.load %arg4[%swap3A, %swap3A_24] : memref<128x128xf32, #tpu.memory_space<vmem>>, vector<128x128xf32>
    tpu.vector_store %arg4[%swap3A, %swap3A_24], %div3A_23 {strides = array<i32>} : memref<128x128xf32, #tpu.memory_space<vmem>>, vector<128x128xf32>,
    return
  }
}

</mosaic_0001>

<sc_bundles>
// kernel: kernel.4.cloned.1.call-start
scs
__scs_entry_jumppad:
0x0: {  	(pc) =	sbr.rel $0x88, $3  }
0x1: {  	(tag) =	ssettag $0x0;
	lr =	simm.s32 $0x1  }
0x2: {  	[smem:$0x3F9C] =	sst lr;
	_ =	strace $0xD0000000  }
0x3: {  	_ = 	snop  }
0x4: {  	_ = 	snop  }
0x5: {  	_ = 	snop  }
0x6: {  	_ = 	snop  }
0x7: {  	_ = 	snop  }
__scs_overlays_trampoline_lowered:
0x8: {  	[smem:$0x3FAB] =	sst s0  }
0x9: {  	[smem:$0x3FAC] =	sst s1  }
0xa: {  	[smem:$0x3FAD] =	sst s2  }
0xb: {  	[smem:$0x3FAE] =	sst s3  }
0xc: {  	[smem:$0x3FAF] =	sst s4  }
0xd: {  	[smem:$0x3FB0] =	sst s5  }
0xe: {  	[smem:$0x3FB1] =	sst s6  }
0xf: {  	[smem:$0x3FB2] =	sst s7  }
0x10: {  	[smem:$0x3FB3] =	sst s8  }
0x11: {  	[smem:$0x3FB4] =	sst s9;
	s0 =	simm.s32 @!p0 $0x0  }
0x12: {  	s1 =	sld [smem:$0x3F9A];
	s0 =	simm.s32 @p0 $0x1  }
0x13: {  	[smem:$0x3FB5] =	sst s0;
	s0 =	simm.s32 @!p1 $0x0  }
0x14: {  	s2 =	sld [smem:$0x3F99];
	s0 =	simm.s32 @p1 $0x1  }
0x15: {  	[smem:$0x3FB6] =	sst s0;
	s0 =	simm.s32 @!p2 $0x0  }
0x16: {  	s3 =	sld [smem:$0x3FDB];
	s0 =	simm.s32 @p2 $0x1  }
0x17: {  	s4 =	simm.s32 $0x1BF5;
	[smem:$0x3FB8] =	sst s0  }
0x18: {  	s0 =	sld [smem:$0x3F9B];
	_ =	swait.ge [sflag:s4], $0x0  }
0x19: {  	s7 =	sld [smem:$0x3F9C]  }
0x1a: {  	s8 =	sadd.s32 $0xFFFFE003, lr  }
0x1b: {  	s9 =	sadd.s32 $0xFFFFFEF7, lr;
	s5 =	simm.s32 $0xFFFFFFFF;
	p2 =	slt.u32 s8, $0xFFFFF086  }
0x1c: {  	p1 =	slt.u32 s9, $0xF7A;
	s5 =	simm.s32 @!p2 $0x0  }
0x1d: {  	s5 =	simm.s32 @p1 $0x1;
	p0 =	seq.s32 s7, s2  }
0x1e: {  	s7 =	smul.u32 @!p0 $0xF7A, s2;
	p2 =	seq.s32 @!p0 s5, $0x0  }
0x1f: {  	s9 =	smul.u32 $0xF7A, s1;
	s8 =	simm.s32 @!p0 $0x1BF5;
	p2 =	por !p2, p0  }
0x20: {  	[sflag:s8] =	ssyncset.s32 @!p0 $0xFFFFF086;
	s6 =	sadd.s32 @!p0 s3, s7;
	s7 =	simm.s32 @!p0 $0x108  }
0x21: {  	s3 =	sadd.s32 s3, s9;
	s6 =	sadd.s32 @!p0 $0x88, s6;
	s7 =	simm.s32 @p2 $0x1082  }
0x22: {  	[simem:s7], [sflag:s8] =	dma.local @!p0 [hbm:s6], $0xF7A  }
0x23: {  	s9 =	sor.u32 $0xD0000000, s2;
	s6 =	simm.s32 $0x108;
	_ =	swait.ge @!p0 [sflag:s8], $0x0  }
0x24: {  	s3 =	sadd.s32 $0x88, s3;
	s6 =	simm.s32 @!p1 $0x1082;
	[sflag:s4] =	ssyncset.s32 $0xFFFFF086  }
0x25: {  	[simem:s6], [sflag:s4] =	dma.local [hbm:s3], $0xF7A  }
0x26: {  	[smem:$0x3F9C] =	sst s1;
	(tag) =	ssettag s2;
	_ =	strace s9  }
0x27: {  	s1 =	sld [smem:$0x3FAC]  }
0x28: {  	s2 =	sld [smem:$0x3FAD]  }
0x29: {  	s4 =	sld [smem:$0x3FAF]  }
0x2a: {  	p0 =	seq.s32 s5, $0x0;
	s5 =	sld [smem:$0x3FB0]  }
0x2b: {  	s6 =	sld [smem:$0x3FB1]  }
0x2c: {  	s7 =	sld [smem:$0x3FB2]  }
0x2d: {  	s3 =	simm.s32 $0x108;
	s8 =	sld [smem:$0x3FB3]  }
0x2e: {  	s3 =	simm.s32 @!p0 $0x1082;
	s9 =	sld [smem:$0x3FB4]  }
0x2f: {  	lr =	sadd.s32 s0, s3;
	s0 =	sld [smem:$0x3FAB]  }
0x30: {  	s3 =	sld [smem:$0x3FAE]  }
0x31: {  	[smem:$0x3FB7] =	sst s10  }
0x32: {  	s10 =	sld [smem:$0x3FB5];
	_ =	sdelay $0x3  }
0x33: {  	p0 =	seq.s32 s10, $0x1;
	s10 =	sld [smem:$0x3FB7];
	_ =	sdelay $0x3  }
0x34: {  	[smem:$0x3FB7] =	sst s10  }
0x35: {  	s10 =	sld [smem:$0x3FB6];
	_ =	sdelay $0x3  }
0x36: {  	p1 =	seq.s32 s10, $0x1;
	s10 =	sld [smem:$0x3FB7];
	_ =	sdelay $0x3  }
0x37: {  	[smem:$0x3FB7] =	sst s10  }
0x38: {  	s10 =	sld [smem:$0x3FB8]  }
0x39: {  	_ = 	snop;
	(pc) =	sbr.ind lr, $3  }
0x3a: {  	_ = 	snop  }
0x3b: {  	_ = 	snop  }
0x3c: {  	p2 =	seq.s32 s10, $0x1;
	s10 =	sld [smem:$0x3FB7]  }
0x3d: {  	_ =	shalt  }
0x3e: {  	_ =	shalt  }
0x3f: {  	_ =	shalt  }
0x40: {  	_ =	shalt  }
0x41: {  	_ =	shalt  }
0x42: {  	_ =	shalt  }
0x43: {  	_ =	shalt  }
0x44: {  	_ =	shalt  }
0x45: {  	_ =	shalt  }
0x46: {  	_ =	shalt  }
0x47: {  	_ =	shalt  }
0x48: {  	_ =	shalt  }
0x49: {  	_ =	shalt  }
0x4a: {  	_ =	shalt  }
0x4b: {  	_ =	shalt  }
0x4c: {  	_ =	shalt  }
0x4d: {  	_ =	shalt  }
0x4e: {  	_ =	shalt  }
0x4f: {  	_ =	shalt  }
0x50: {  	_ =	shalt  }
0x51: {  	_ =	shalt  }
0x52: {  	_ =	shalt  }
0x53: {  	_ =	shalt  }
0x54: {  	_ =	shalt  }
0x55: {  	_ =	shalt  }
0x56: {  	_ =	shalt  }
0x57: {  	_ =	shalt  }
0x58: {  	_ =	shalt  }
0x59: {  	_ =	shalt  }
0x5a: {  	_ =	shalt  }
0x5b: {  	_ =	shalt  }
0x5c: {  	_ =	shalt  }
0x5d: {  	_ =	shalt  }
0x5e: {  	_ =	shalt  }
0x5f: {  	_ =	shalt  }
0x60: {  	_ =	shalt  }
0x61: {  	_ =	shalt  }
0x62: {  	_ =	shalt  }
0x63: {  	_ =	shalt  }
0x64: {  	_ =	shalt  }
0x65: {  	_ =	shalt  }
0x66: {  	_ =	shalt  }
0x67: {  	_ =	shalt  }
0x68: {  	_ =	shalt  }
0x69: {  	_ =	shalt  }
0x6a: {  	_ =	shalt  }
0x6b: {  	_ =	shalt  }
0x6c: {  	_ =	shalt  }
0x6d: {  	_ =	shalt  }
0x6e: {  	_ =	shalt  }
0x6f: {  	_ =	shalt  }
0x70: {  	_ =	shalt  }
0x71: {  	_ =	shalt  }
0x72: {  	_ =	shalt  }
0x73: {  	_ =	shalt  }
0x74: {  	_ =	shalt  }
0x75: {  	_ =	shalt  }
0x76: {  	_ =	shalt  }
0x77: {  	_ =	shalt  }
0x78: {  	_ =	shalt  }
0x79: {  	_ =	shalt  }
0x7a: {  	_ =	shalt  }
0x7b: {  	_ =	shalt  }
0x7c: {  	_ =	shalt  }
0x7d: {  	_ =	shalt  }
0x7e: {  	_ =	shalt  }
0x7f: {  	_ =	shalt  }
0x80: {  	_ =	shalt  }
0x81: {  	_ =	shalt  }
0x82: {  	_ =	shalt  }
0x83: {  	_ =	shalt  }
0x84: {  	_ =	shalt  }
0x85: {  	_ =	shalt  }
0x86: {  	_ =	shalt  }
0x87: {  	_ =	shalt  }
.Lfunc_end0:
.L_simem_size_0:
called_computation_lowered:
.L_overlay_start_0:
0x88: {  	s2 =	sld [smem:$0x3FD9]  }
0x89: {  	s3 =	sld [smem:$0x3FFE];
	_ =	sdelay $0x1  }
0x8a: {  	s1 =	srdreg.scid  }
0x8b: {  	s0 =	sand.u32 $0x1, s1  }
0x8c: {  	s15 =	sshll.u32 s0, $0xA;
	s2 =	sadd.s32 s3, s2  }
0x8d: {  	s2 =	sadd.s32 s2, s15  }
0x8e: {  	[smem:$0x3FC3] =	sst s2  }
0x8f: {  	_ = 	snop  }
0x90: {  	s2 =	sld [smem:$0x3FD0]  }
0x91: {  	s16 =	sld [smem:$0x3FC7]  }
0x92: {  	s4 =	sld [smem:$0x3FC6]  }
0x93: {  	s6 =	simm.s32 $0xA;
	s7 =	simm.s32 $0x10;
	s5 =	sld [smem:$0x3FC5]  }
0x94: {  	[smem:s7], [sflag:s6] =	dma.local [hbm:s2], $0x1  }
0x95: {  	_ =	swait.eq [sflag:s6], $0x1  }
0x96: {  	[sflag:s6] =	ssyncset.done $0x0  }
0x97: {  	[sflag:s6] =	ssyncadd.s32 $0xFFFFFFFF  }
0x98: {  	s17 =	sld [smem:$0x11];
	(tm) =	ssettm $0x1  }
0x99: {  	s18 =	sld [smem:$0x3FFB];
	_ =	sdelay $0x3  }
0x9a: {  	_ =	strace s18  }
0x9b: {  	s6 =	sld [smem:$0x3FFC];
	_ =	sdelay $0x3  }
0x9c: {  	_ =	strace s6  }
0x9d: {  	s6 =	sld [smem:$0x3FFD];
	_ =	sdelay $0x3  }
0x9e: {  	_ =	strace s6  }
0x9f: {  	_ =	strace $0x8FFFFFFF  }
0xa0: {  	s19 =	sld [smem:$0x3FDB];
	_ =	sdelay $0x1  }
0xa1: {  	s20 =	simm.s32 $_scs_section_size  }
0xa2: {  	s8 =	simm.s32 $_size__tile_overlayer_lowered;
	s9 =	simm.s32 $_tile_overlayer_lowered  }
0xa3: {  	s23 =	simm.s32 $0x1BFF;
	s22 =	sshll.u32 s9, $0x1;
	s6 =	sadd.s32 s20, s19  }
0xa4: {  	s10 =	simm.s32 $0x0;
	s21 =	sshll.u32 s8, $0x1;
	s8 =	sadd.s32 s22, s6  }
0xa5: {  	[timem:s10], [sflag:s23] =	dma.local [hbm:s8], s21  }
0xa6: {  	_ =	swait.ge [sflag:s23], s21  }
0xa7: {  	s7 =	ssub.s32 $0x0, s21;
	[sflag:s23] =	ssyncset.done $0x0  }
0xa8: {  	[sflag:s23] =	ssyncadd.s32 s7;
	_ =	sdelay $0x1  }
0xa9: {  	s24 =	simm.s32 $0x1B8B  }
0xaa: {  	_ =	swait.ge [sflag:s24], $0x1  }
0xab: {  	[sflag:s24] =	ssyncset.done $0x0  }
0xac: {  	s25 =	simm.s32 $0x1B8E;
	[sflag:s24] =	ssyncadd.s32 $0xFFFFFFFF  }
0xad: {  	s26 =	simm.s32 $execute0_lowered;
	[smem:$0x3FD2] =	sst s25  }
0xae: {  	s7 =	sshll.u32 s26, $0x1;
	_ =	strace $0x80000046;
	[dreg:$0x1] =	wrdreg $0xFFFFFFFF  }
0xaf: {  	s28 =	simm.s32 $_size_execute0_lowered;
	s6 =	sadd.s32 s6, s7;
	[dreg:$0x0] =	wrdreg $0x0  }
0xb0: {  	s7 =	sshll.u32 s28, $0x1;
	[dreg:$0x2] =	wrdreg s6  }
0xb1: {  	[dreg:$0x3] =	wrdreg s7  }
0xb2: {  	[dreg:$0x4] =	wrdreg $0xC0  }
0xb3: {  	_ =	task [dreg:s10], $0x5FFFF  }
0xb4: {  	[dreg:$0x1] =	wrdreg $0xFFFFFFFF  }
0xb5: {  	[dreg:$0x0] =	wrdreg $0x60  }
0xb6: {  	[dreg:$0x2] =	wrdreg s5  }
0xb7: {  	[dreg:$0x3] =	wrdreg s16  }
0xb8: {  	[dreg:$0x4] =	wrdreg s4  }
0xb9: {  	[dreg:$0x5] =	wrdreg s17  }
0xba: {  	[dreg:$0x6] =	wrdreg $0x9  }
0xbb: {  	_ =	task.clear_ibuf [dreg:s10], $0x7FFFF;
	_ =	strace $0x90000046  }
0xbc: {  	s29 =	simm.s32 $0x9;
	_ =	strace $0x80000048  }
0xbd: {  	_ =	swait.ge [sflag:s29], $0x1  }
0xbe: {  	[sflag:s29] =	ssyncadd.s32 $0xFFFFFFFF  }
0xbf: {  	_ =	strace $0x90000048  }
0xc0: {  	_ =	sfence  }
0xc1: {  	s30 =	sld [smem:$0x0];
	_ =	sdelay $0x2  }
0xc2: {  	s31 =	sshll.u32 s1, $0xD;
	s1 =	sshrl.u32 s1, $0x2  }
0xc3: {  	s3 =	sand.u32 $0x4000, s31;
	s1 =	sadd.s32 s1, s30  }
0xc4: {  	s0 =	sor.u32 s3, s0;
	s1 =	sshll.u32 s1, $0x11  }
0xc5: {  	s0 =	sor.u32 s1, s0  }
0xc6: {  	s0 =	sadd.s32 $0x8F2B, s0  }
0xc7: {  	[sflag:s0] =	ssyncadd.remote.s32 $0x1  }
0xc8: {  	_ =	sfence.sel $0xFFFF  }
0xc9: {  	[dreg:$0x0] =	wrdreg $0xFFFFFFFF;
	(pc) =	sbr.abs _section_cstart, $3  }
0xca: {  	[dreg:$0x1] =	wrdreg $0xFFFFFFFF  }
0xcb: {  	_ =	task.clear_ibuf [dreg:s10], $0x2FFFF;
	_ =	strace $0x9FFFFFFF  }
0xcc: {  	(tm) =	ssettm $0x7FFFFFFF  }
0xcd: {  	_ =	shalt  }
tec
execute0_lowered:
.L_overlay_start_1:
0x0: {  	(tag) =	ssettag $0x1  }
0x1: {  	s0 =	rddreg [dreg:$0x0]  }
0x2: {  	s6 =	rddreg [dreg:$0x1]  }
0x3: {  	s7 =	rddreg [dreg:$0x2];
	s1 =	srdreg.scid  }
0x4: {  	s3 =	rddreg [dreg:$0x3];
	s2 =	stileid.u32;
	s4 =	simm.s32 $0x0  }
0x5: {  	s11 =	simm.s32 $0x80;
	s12 =	simm.s32 $0x1;
	s13 =	simm.s32 $0x600  }
0x6: {  	s14 =	simm.s32 $0x3;
	s15 =	simm.s32 $0x0;
	s5 =	sand.u32 $0x1, s1  }
0x7: {  	s1 =	rddreg [dreg:$0x4];
	s8 =	sshll.u32 s2, $0xA;
	s9 =	sshll.u32 s5, $0x9  }
0x8: {  	[smem:$0x7FF] =	sst s4;
	s10 =	ssub.s32 $0x2, s5;
	s5 =	sor.u32 s9, s8  }
0x9: {  	_ =	strace $0x80000047;
	s31 =	sshrl.u32 s10, $0x1;
	s9 =	sshrl.u32 s5, $0x3  }
0xa: {  	v0 =	vlaneseq.u32;
	s8 =	ssub.s32 s10, s31;
	s10 =	simm.s32 $0x2;
	s6 =	sadd.s32 s6, s9  }
0xb: {  	v0 =	vmul.u32 $0x10, v0;
	s7 =	sadd.s32 s7, s9;
	s8 =	smax.u32 s8, $0x1;
	s9 =	simm.s32 $0x200  }
.LBB2_1:
0xc: {  	[tilespmem:s4], [sflag:$0x2] =	stream.linear.gather [hbm4b:s6+s4], $0x200, $0x38;
	[tilespmem:$0x2800] =	vst v63  }
0xd: {  	_ = 	snop  }
0xe: {  	[tilespmem:s9], [sflag:$0x2] =	stream.linear.gather [hbm4b:s7+s4], $0x200, $0x38;
	[tilespmem:$0x2800] =	vst v63  }
0xf: {  	_ =	swait.ge [sflag:s10], $0x200  }
0x10: {  	[sflag:s10] =	ssyncset.done $0x0  }
0x11: {  	[sflag:s10] =	ssyncadd.s32 $0xFFFFFE00  }
0x12: {  	_ =	swait.ge [sflag:s10], $0x200  }
0x13: {  	[sflag:s10] =	ssyncset.done $0x0  }
0x14: {  	s17 =	simm.s32 $0x0;
	[sflag:s10] =	ssyncadd.s32 $0xFFFFFE00  }
0x15: {  	v1 =	vld [tilespmem:s17+$0x0]  }
0x16: {  	v2 =	vld [tilespmem:s17+$0x200];
	_ =	sdelay $0x2  }
0x17: {  	v3 =	vld [tilespmem:s17+$0x10]  }
0x18: {  	v4 =	vld [tilespmem:s17+$0x210];
	v1 =	vshll.u32 v1, $0x3  }
0x19: {  	v7 =	vld [tilespmem:s17+$0x220];
	v6 =	vshra.s32 v2, $0x7;
	v5 =	vand.u32 $0x3FFFFC0, v1  }
0x1a: {  	v5 =	vadd.s32 v6, v5;
	v6 =	vld [tilespmem:s17+$0x20]  }
0x1b: {  	v2 =	vshrl.u32 v2, $0x4;
	v1 =	vand.u32 $0x38, v1;
	v5 =	vshll.u32 v5, $0x6  }
0x1c: {  	v8 =	vld [tilespmem:s17+$0x30];
	v3 =	vshll.u32 v3, $0x3;
	v2 =	vand.u32 $0x7, v2;
	v1 =	vor.u32 v1, v5  }
0x1d: {  	v5 =	vshra.s32 v4, $0x7;
	v1 =	vor.u32 v2, v1;
	v2 =	vand.u32 $0x3FFFFC0, v3  }
0x1e: {  	v9 =	vshra.s32 v7, $0x7;
	v7 =	vshrl.u32 v7, $0x4;
	v2 =	vadd.s32 v5, v2;
	v5 =	vld [tilespmem:s17+$0x230]  }
0x1f: {  	v13 =	vld [tilespmem:s17+$0x260];
	v3 =	vand.u32 $0x38, v3;
	v2 =	vshll.u32 v2, $0x6;
	v6 =	vshll.u32 v6, $0x3  }
0x20: {  	v4 =	vshrl.u32 v4, $0x4;
	v2 =	vor.u32 v3, v2;
	v3 =	vand.u32 $0x3FFFFC0, v6  }
0x21: {  	v10 =	vld [tilespmem:s17+$0x240];
	v8 =	vshll.u32 v8, $0x3;
	v4 =	vand.u32 $0x7, v4;
	v3 =	vadd.s32 v9, v3  }
0x22: {  	v6 =	vand.u32 $0x38, v6;
	v9 =	vld [tilespmem:s17+$0x40];
	v2 =	vor.u32 v4, v2;
	v3 =	vshll.u32 v3, $0x6  }
0x23: {  	v12 =	vld [tilespmem:s17+$0x50];
	v3 =	vor.u32 v6, v3;
	v6 =	vand.u32 $0x3FFFFC0, v8;
	v11 =	vshra.s32 v5, $0x7  }
0x24: {  	v7 =	vand.u32 $0x7, v7;
	[tilespmem:s17+$0x410] =	vst v2;
	v2 =	vshrl.u32 v13, $0x4;
	v4 =	vadd.s32 v11, v6;
	v6 =	vld [tilespmem:s17+$0x250]  }
0x25: {  	v5 =	vshrl.u32 v5, $0x4;
	v3 =	vor.u32 v7, v3;
	v7 =	vand.u32 $0x38, v8  }
0x26: {  	v5 =	vand.u32 $0x7, v5;
	v8 =	vshra.s32 v10, $0x7;
	v4 =	vshll.u32 v4, $0x6  }
0x27: {  	v4 =	vor.u32 v7, v4;
	v7 =	vshll.u32 v9, $0x3;
	v9 =	vshrl.u32 v10, $0x4  }
0x28: {  	v11 =	vld [tilespmem:s17+$0x60];
	v10 =	vshll.u32 v12, $0x3;
	v4 =	vor.u32 v5, v4;
	v5 =	vand.u32 $0x3FFFFC0, v7  }
0x29: {  	v5 =	vadd.s32 v8, v5;
	v8 =	vand.u32 $0x3FFFFC0, v10;
	v12 =	vshra.s32 v6, $0x7  }
0x2a: {  	v7 =	vand.u32 $0x38, v7;
	v10 =	vand.u32 $0x38, v10;
	v8 =	vadd.s32 v12, v8;
	v12 =	vld [tilespmem:s17+$0x70]  }
0x2b: {  	v14 =	vld [tilespmem:s17+$0x270];
	v5 =	vshll.u32 v5, $0x6;
	v6 =	vshrl.u32 v6, $0x4;
	v8 =	vshll.u32 v8, $0x6  }
0x2c: {  	v5 =	vor.u32 v7, v5;
	v6 =	vand.u32 $0x7, v6;
	v7 =	vor.u32 v10, v8  }
0x2d: {  	v2 =	vand.u32 $0x7, v2;
	v6 =	vor.u32 v6, v7;
	v7 =	vshll.u32 v11, $0x3  }
0x2e: {  	[tilespmem:s17+$0x400] =	vst v1;
	v9 =	vand.u32 $0x7, v9;
	v8 =	vshra.s32 v13, $0x7;
	v1 =	vand.u32 $0x3FFFFC0, v7  }
0x2f: {  	[tilespmem:s17+$0x420] =	vst v3;
	v5 =	vor.u32 v9, v5;
	v1 =	vadd.s32 v8, v1;
	v8 =	vshll.u32 v12, $0x3  }
0x30: {  	v9 =	vshra.s32 v14, $0x7;
	[tilespmem:s17+$0x440] =	vst v5;
	v5 =	vshrl.u32 v14, $0x4;
	v3 =	vand.u32 $0x3FFFFC0, v8  }
0x31: {  	v7 =	vand.u32 $0x38, v7;
	v1 =	vshll.u32 v1, $0x6;
	v3 =	vadd.s32 v9, v3  }
0x32: {  	[tilespmem:s17+$0x430] =	vst v4;
	v4 =	vand.u32 $0x38, v8;
	v1 =	vor.u32 v7, v1;
	v3 =	vshll.u32 v3, $0x6  }
0x33: {  	[tilespmem:s17+$0x450] =	vst v6;
	v1 =	vor.u32 v2, v1;
	v2 =	vor.u32 v4, v3;
	v3 =	vand.u32 $0x7, v5  }
0x34: {  	[tilespmem:s17+$0x460] =	vst v1;
	v1 =	vor.u32 v3, v2  }
0x35: {  	s16 =	simm.s32 $0x80;
	s18 =	simm.s32 $0x400;
	[tilespmem:s17+$0x470] =	vst v1  }
0x36: {  	[tilespmem:s13], [sflag:$0x1] =	stream.indirect.gather [hbm4b:s0+s11], $0x10, s18, s11, $0xb8;
	[tilespmem:$0x2800] =	vst v63  }
0x37: {  	v1 =	vld [tilespmem:s16+$0x0]  }
0x38: {  	v2 =	vld [tilespmem:s16+$0x200];
	_ =	sdelay $0x1  }
0x39: {  	v3 =	vld [tilespmem:s16+$0x10]  }
0x3a: {  	v4 =	vld [tilespmem:s16+$0x210]  }
0x3b: {  	v8 =	vld [tilespmem:s16+$0x30];
	v1 =	vshll.u32 v1, $0x3  }
0x3c: {  	v9 =	vld [tilespmem:s16+$0x230];
	v6 =	vshra.s32 v2, $0x7;
	v5 =	vand.u32 $0x3FFFFC0, v1  }
0x3d: {  	v5 =	vadd.s32 v6, v5;
	v6 =	vld [tilespmem:s16+$0x20]  }
0x3e: {  	v7 =	vld [tilespmem:s16+$0x220];
	v2 =	vshrl.u32 v2, $0x4;
	v1 =	vand.u32 $0x38, v1;
	v5 =	vshll.u32 v5, $0x6  }
0x3f: {  	v3 =	vshll.u32 v3, $0x3;
	v2 =	vand.u32 $0x7, v2;
	v1 =	vor.u32 v1, v5  }
0x40: {  	v5 =	vshra.s32 v4, $0x7;
	v1 =	vor.u32 v2, v1;
	v2 =	vand.u32 $0x3FFFFC0, v3  }
0x41: {  	v8 =	vshll.u32 v8, $0x3;
	v12 =	vshra.s32 v9, $0x7;
	v2 =	vadd.s32 v5, v2  }
0x42: {  	v3 =	vand.u32 $0x38, v3;
	v2 =	vshll.u32 v2, $0x6;
	v5 =	vshll.u32 v6, $0x3  }
0x43: {  	v10 =	vld [tilespmem:s16+$0x240];
	v6 =	vshra.s32 v7, $0x7;
	v2 =	vor.u32 v3, v2;
	v3 =	vand.u32 $0x3FFFFC0, v5  }
0x44: {  	v13 =	vld [tilespmem:s16+$0x50];
	v11 =	vand.u32 $0x3FFFFC0, v8;
	v4 =	vshrl.u32 v4, $0x4;
	v3 =	vadd.s32 v6, v3  }
0x45: {  	v5 =	vand.u32 $0x38, v5;
	v6 =	vshrl.u32 v7, $0x4;
	v7 =	vld [tilespmem:s16+$0x40];
	v3 =	vshll.u32 v3, $0x6  }
0x46: {  	v4 =	vand.u32 $0x7, v4;
	v6 =	vand.u32 $0x7, v6;
	v5 =	vor.u32 v5, v3  }
0x47: {  	v3 =	vor.u32 v4, v2;
	v4 =	vadd.s32 v12, v11;
	v2 =	vor.u32 v6, v5;
	v5 =	vld [tilespmem:s16+$0x250]  }
0x48: {  	v11 =	vshra.s32 v10, $0x7;
	v10 =	vshrl.u32 v10, $0x4;
	v4 =	vshll.u32 v4, $0x6  }
0x49: {  	v6 =	vand.u32 $0x38, v8;
	v8 =	vshrl.u32 v9, $0x4;
	v9 =	vshll.u32 v13, $0x3  }
0x4a: {  	v4 =	vor.u32 v6, v4;
	v6 =	vand.u32 $0x7, v8;
	v7 =	vshll.u32 v7, $0x3  }
0x4b: {  	v4 =	vor.u32 v6, v4;
	v6 =	vand.u32 $0x3FFFFC0, v7;
	v8 =	vand.u32 $0x38, v7;
	v7 =	vld [tilespmem:s16+$0x60]  }
0x4c: {  	s17 =	simm.s32 $0x600;
	s18 =	simm.s32 $0x400;
	v12 =	vadd.s32 v11, v6;
	v11 =	vand.u32 $0x3FFFFC0, v9;
	v6 =	vld [tilespmem:s16+$0x260];
	v13 =	vshra.s32 v5, $0x7  }
.LBB2_2:
0x4d: {  	p0 =	sne.s32 s18, $0x600;
	v12 =	vshll.u32 v12, $0x6;
	v10 =	vand.u32 $0x7, v10;
	v11 =	vadd.s32 v13, v11;
	v13 =	vld [tilespmem:s16+$0x70]  }
0x4e: {  	v9 =	vand.u32 $0x38, v9;
	v5 =	vshrl.u32 v5, $0x4;
	v11 =	vshll.u32 v11, $0x6;
	v14 =	vld [tilespmem:s16+$0x270]  }
0x4f: {  	v8 =	vor.u32 v8, v12;
	v5 =	vand.u32 $0x7, v5;
	v9 =	vor.u32 v9, v11  }
0x50: {  	v8 =	vor.u32 v10, v8;
	v5 =	vor.u32 v5, v9;
	v7 =	vshll.u32 v7, $0x3  }
0x51: {  	[tilespmem:s16+$0x400] =	vst v1;
	v1 =	vand.u32 $0x3FFFFC0, v7;
	v9 =	vshra.s32 v6, $0x7;
	v7 =	vand.u32 $0x38, v7  }
0x52: {  	[tilespmem:s16+$0x410] =	vst v3;
	v1 =	vadd.s32 v9, v1;
	v3 =	vshrl.u32 v6, $0x4;
	v6 =	vshll.u32 v13, $0x3  }
0x53: {  	[tilespmem:s16+$0x420] =	vst v2;
	v1 =	vshll.u32 v1, $0x6;
	v2 =	vand.u32 $0x3FFFFC0, v6;
	v9 =	vshra.s32 v14, $0x7  }
0x54: {  	v3 =	vand.u32 $0x7, v3;
	[tilespmem:s16+$0x430] =	vst v4;
	v1 =	vor.u32 v7, v1;
	v2 =	vadd.s32 v9, v2  }
0x55: {  	v4 =	vand.u32 $0x38, v6;
	v6 =	vshrl.u32 v14, $0x4;
	[tilespmem:s16+$0x440] =	vst v8;
	v2 =	vshll.u32 v2, $0x6  }
0x56: {  	v1 =	vor.u32 v3, v1;
	v3 =	vand.u32 $0x7, v6;
	[tilespmem:s16+$0x450] =	vst v5;
	v2 =	vor.u32 v4, v2  }
0x57: {  	s19 =	sshra.s32 s18, $0x2;
	s20 =	sadd.s32 $0x400, s16;
	s17 =	sadd.s32 $0x800, s17;
	[tilespmem:s16+$0x460] =	vst v1;
	v1 =	vor.u32 v3, v2  }
0x58: {  	[tilespmem:s16+$0x470] =	vst v1;
	[tilespmem:s17], [sflag:$0x1] =	stream.indirect.gather [hbm4b:s0+s11], $0x10, s20, s11, $0xb8  }
0x59: {  	s16 =	smov.u32 s19;
	v1 =	vld [tilespmem:s19+$0x0]  }
0x5a: {  	v2 =	vld [tilespmem:s16+$0x200];
	_ =	sdelay $0x2  }
0x5b: {  	v3 =	vld [tilespmem:s16+$0x10]  }
0x5c: {  	v1 =	vshll.u32 v1, $0x3;
	v4 =	vld [tilespmem:s16+$0x210]  }
0x5d: {  	v5 =	vand.u32 $0x3FFFFC0, v1;
	v6 =	vshra.s32 v2, $0x7  }
0x5e: {  	v5 =	vadd.s32 v6, v5;
	v6 =	vld [tilespmem:s16+$0x20]  }
0x5f: {  	v1 =	vand.u32 $0x38, v1;
	v2 =	vshrl.u32 v2, $0x4;
	v5 =	vshll.u32 v5, $0x6;
	v7 =	vld [tilespmem:s16+$0x220]  }
0x60: {  	v2 =	vand.u32 $0x7, v2;
	v1 =	vor.u32 v1, v5;
	v3 =	vshll.u32 v3, $0x3  }
0x61: {  	v1 =	vor.u32 v2, v1;
	v2 =	vand.u32 $0x3FFFFC0, v3;
	v5 =	vshra.s32 v4, $0x7;
	v8 =	vld [tilespmem:s16+$0x30]  }
0x62: {  	v3 =	vand.u32 $0x38, v3;
	v4 =	vshrl.u32 v4, $0x4;
	v2 =	vadd.s32 v5, v2;
	v9 =	vld [tilespmem:s16+$0x230]  }
0x63: {  	v4 =	vand.u32 $0x7, v4;
	v2 =	vshll.u32 v2, $0x6;
	v5 =	vshll.u32 v6, $0x3  }
0x64: {  	v2 =	vor.u32 v3, v2;
	v3 =	vand.u32 $0x3FFFFC0, v5;
	v6 =	vshra.s32 v7, $0x7  }
0x65: {  	v5 =	vand.u32 $0x38, v5;
	v3 =	vadd.s32 v6, v3;
	v6 =	vshrl.u32 v7, $0x4;
	v7 =	vld [tilespmem:s16+$0x40]  }
0x66: {  	v3 =	vshll.u32 v3, $0x6;
	v6 =	vand.u32 $0x7, v6;
	v8 =	vshll.u32 v8, $0x3;
	v10 =	vld [tilespmem:s16+$0x240]  }
0x67: {  	v5 =	vor.u32 v5, v3;
	v11 =	vand.u32 $0x3FFFFC0, v8;
	v12 =	vshra.s32 v9, $0x7;
	v13 =	vld [tilespmem:s16+$0x50]  }
0x68: {  	v3 =	vor.u32 v4, v2;
	v2 =	vor.u32 v6, v5;
	v4 =	vadd.s32 v12, v11;
	v5 =	vld [tilespmem:s16+$0x250]  }
.Ltmp0:
0x69: {  	v6 =	vand.u32 $0x38, v8;
	v8 =	vshrl.u32 v9, $0x4;
	v4 =	vshll.u32 v4, $0x6;
	(pc) =	sbr.rel @p0 .LBB2_2-.Ltmp0, $4  }
0x6a: {  	v4 =	vor.u32 v6, v4;
	v6 =	vand.u32 $0x7, v8;
	v7 =	vshll.u32 v7, $0x3  }
0x6b: {  	v4 =	vor.u32 v6, v4;
	v6 =	vand.u32 $0x3FFFFC0, v7;
	v8 =	vand.u32 $0x38, v7  }
0x6c: {  	v11 =	vshra.s32 v10, $0x7;
	v10 =	vshrl.u32 v10, $0x4;
	v9 =	vshll.u32 v13, $0x3;
	v7 =	vld [tilespmem:s16+$0x60]  }
0x6d: {  	s18 =	sadd.s32 $0x200, s18;
	v12 =	vadd.s32 v11, v6;
	v11 =	vand.u32 $0x3FFFFC0, v9;
	v13 =	vshra.s32 v5, $0x7;
	v6 =	vld [tilespmem:s16+$0x260]  }
0x6e: {  	v12 =	vshll.u32 v12, $0x6;
	v10 =	vand.u32 $0x7, v10;
	v11 =	vadd.s32 v13, v11;
	v58 =	vld [tilespmem:s16+$0x70]  }
0x6f: {  	v9 =	vand.u32 $0x38, v9;
	v5 =	vshrl.u32 v5, $0x4;
	v14 =	vld [tilespmem:s16+$0x270];
	v11 =	vshll.u32 v11, $0x6  }
0x70: {  	v8 =	vor.u32 v8, v12;
	v5 =	vand.u32 $0x7, v5;
	v9 =	vor.u32 v9, v11  }
0x71: {  	v8 =	vor.u32 v10, v8;
	v5 =	vor.u32 v5, v9;
	v7 =	vshll.u32 v7, $0x3  }
0x72: {  	[tilespmem:s16+$0x400] =	vst v1;
	v1 =	vand.u32 $0x3FFFFC0, v7;
	v59 =	vshra.s32 v6, $0x7;
	v7 =	vand.u32 $0x38, v7  }
0x73: {  	[tilespmem:s16+$0x410] =	vst v3;
	v3 =	vshrl.u32 v6, $0x4;
	v1 =	vadd.s32 v59, v1;
	v60 =	vshll.u32 v58, $0x3  }
0x74: {  	[tilespmem:s16+$0x420] =	vst v2;
	v61 =	vshra.s32 v14, $0x7;
	v3 =	vand.u32 $0x7, v3;
	v2 =	vand.u32 $0x3FFFFC0, v60  }
0x75: {  	[tilespmem:s16+$0x430] =	vst v4;
	v63 =	vshrl.u32 v14, $0x4;
	v1 =	vshll.u32 v1, $0x6;
	v2 =	vadd.s32 v61, v2  }
0x76: {  	[tilespmem:s16+$0x440] =	vst v8;
	v62 =	vand.u32 $0x38, v60;
	v1 =	vor.u32 v7, v1;
	v2 =	vshll.u32 v2, $0x6  }
0x77: {  	[tilespmem:s16+$0x450] =	vst v5;
	v1 =	vor.u32 v3, v1;
	v3 =	vand.u32 $0x7, v63;
	v2 =	vor.u32 v62, v2  }
0x78: {  	[tilespmem:s16+$0x460] =	vst v1;
	v1 =	vor.u32 v3, v2  }
0x79: {  	s18 =	sadd.s32 $0x400, s16;
	s17 =	sadd.s32 $0x800, s17;
	s19 =	simm.s32 $0x0;
	[tilespmem:s16+$0x470] =	vst v1  }
0x7a: {  	[tilespmem:s17], [sflag:$0x1] =	stream.indirect.gather [hbm4b:s0+s11], $0x10, s18, s11, $0xb8;
	[tilespmem:$0x2800] =	vst v63  }
0x7b: {  	s16 =	simm.s32 $0x200;
	s17 =	simm.s32 $0x2600;
	s18 =	simm.s32 $0x0  }
.LBB2_4:
0x7c: {  	v1 =	vmov s16;
	_ =	sdelay $0x1  }
0x7d: {  	_ =	swait.ge [sflag:s12], $0x800  }
0x7e: {  	[sflag:s12] =	ssyncset.done $0x0  }
0x7f: {  	s22 =	simm.s32 $0x0;
	[sflag:s12] =	ssyncadd.s32 $0xFFFFF800  }
0x80: {  	v2 =	vld.idx.msk [tilespmem:v1+s22+$0x0 ss:$0x1], $0xffff;
	_ =	sdelay $0x2  }
0x81: {  	v3 =	vmov s18  }
0x82: {  	v3 =	vshll.u32 v3, $0x4  }
0x83: {  	v3 =	vor.u32 v0, v3;
	v2 =	vand.u32 $0xF, v2  }
0x84: {  	v3 =	vor.u32 v3, v2;
	_ =	sdelay $0x4  }
0x85: {  	v2 =	vmov s17;
	v3 =	vld.idx.msk [tilespmem:v3+s13+$0x0], $0xffff;
	_ =	sdelay $0x3  }
0x86: {  	s20 =	sshll.u32 s19, $0x7  }
0x87: {  	s21 =	simm.s32 $0x10;
	s23 =	simm.s32 $0x80;
	[tilespmem:v2+s22+$0x0 ss:$0x1] =	vst.idx.msk $0xffff, v3;
	s22 =	smov.u32 s18  }
.LBB2_5:
0x88: {  	p0 =	sne.s32 s23, $0x1C0;
	v3 =	vld.idx.msk [tilespmem:v1+s21+$0x0 ss:$0x1], $0xffff;
	_ =	sdelay $0x2  }
0x89: {  	s22 =	sadd.s32 $0x10, s22  }
0x8a: {  	v4 =	vmov s22  }
0x8b: {  	v4 =	vshll.u32 v4, $0x4  }
0x8c: {  	v4 =	vor.u32 v0, v4;
	v3 =	vand.u32 $0xF, v3  }
0x8d: {  	v3 =	vor.u32 v4, v3;
	_ =	sdelay $0x4  }
0x8e: {  	v3 =	vld.idx.msk [tilespmem:v3+s13+$0x0], $0xffff;
	_ =	sdelay $0x1  }
.Ltmp1:
0x8f: {  	(pc) =	sbr.rel @p0 .LBB2_5-.Ltmp1, $2  }
0x90: {  	_ =	sdelay $0x2  }
0x91: {  	[tilespmem:v2+s21+$0x0 ss:$0x1] =	vst.idx.msk $0xffff, v3;
	s21 =	sshra.s32 s23, $0x2;
	s23 =	sadd.s32 $0x40, s23  }
0x92: {  	_ =	sdelay $0x3  }
0x93: {  	v1 =	vld.idx.msk [tilespmem:v1+s21+$0x0 ss:$0x1], $0xffff;
	_ =	sdelay $0x1  }
0x94: {  	s22 =	sadd.s32 $0x10, s22  }
0x95: {  	v3 =	vmov s22  }
0x96: {  	v3 =	vshll.u32 v3, $0x4  }
0x97: {  	v3 =	vor.u32 v0, v3;
	v1 =	vand.u32 $0xF, v1  }
0x98: {  	v1 =	vor.u32 v3, v1;
	_ =	sdelay $0x4  }
0x99: {  	s19 =	sadd.s32 $0x1, s19;
	v1 =	vld.idx.msk [tilespmem:v1+s13+$0x0], $0xffff  }
0x9a: {  	p0 =	sne.s32 s19, $0x4  }
.Ltmp2:
0x9b: {  	_ = 	snop;
	(pc) =	sbr.rel @p0 .LBB2_4-.Ltmp2, $4  }
0x9c: {  	s29 =	sor.u32 s5, s20  }
0x9d: {  	s31 =	sadd.s32 $0x2600, s20;
	s16 =	sadd.s32 $0x80, s16;
	s22 =	sshrl.u32 s29, $0x3  }
0x9e: {  	s17 =	sadd.s32 $0x80, s17;
	s18 =	sadd.s32 $0x80, s18;
	s30 =	sadd.s32 s3, s22;
	[tilespmem:v2+s21+$0x0 ss:$0x1] =	vst.idx.msk $0xffff, v1  }
0x9f: {  	[hbm4b:s30+s4] =	stream.linear.scatter [tilespmem:s31], [sflag:$0x3], $0x80, $0x38;
	[tilespmem:$0x2800] =	vst v63  }
0xa0: {  	s15 =	sadd.s32 $0x1, s15  }
0xa1: {  	p0 =	sne.s32 s15, s8  }
.Ltmp3:
0xa2: {  	_ = 	snop;
	(pc) =	sbr.rel @p0 .LBB2_1-.Ltmp3, $4  }
0xa3: {  	_ = 	snop  }
0xa4: {  	_ =	swait.ge [sflag:s14], $0x200  }
0xa5: {  	[sflag:s14] =	ssyncset.done $0x0  }
0xa6: {  	[sflag:s14] =	ssyncadd.s32 $0xFFFFFE00  }
0xa7: {  	_ =	sfence.sel $0x180000  }
0xa8: {  	[bflag:$0x0] =	sbarrier.arrive $0xFFFF  }
0xa9: {  	p0 =	sne.s32 s2, $0x0;
	_ =	strace $0x90000047  }
0xaa: {  	s0 =	sadd.s32 @!p0 $0x100000, s1;
	[bflag:$0x2] =	sbarrier.arrive $0xFFFF  }
0xab: {  	[sflag:s0] =	ssyncadd.tile.s32 @!p0 $0x1;
	_ =	shalt  }
.Lfunc_end2:
_tile_overlayer_lowered:
.L_overlay_start_2:
0xac: {  	(tag) =	ssettag $0x2  }
0xad: {  	s0 =	rddreg [dreg:$0x0];
	s2 =	stileid.u32  }
0xae: {  	s1 =	rddreg [dreg:$0x1];
	p0 =	sne.s32 s2, $0x0  }
0xaf: {  	s3 =	rddreg [dreg:$0x2];
	[bflag:$0x3] =	sbarrier.arrive $0xFFFF;
	s2 =	simm.s32 @!p0 $0x1C04  }
0xb0: {  	[timem:s3], [sflag:s2] =	dma.local @!p0 [hbm:s0], s1  }
0xb1: {  	s0 =	simm.s32 @!p0 $0x4  }
0xb2: {  	_ =	swait.ge @!p0 [sflag:s0], s1  }
0xb3: {  	s1 =	ssub.s32 @!p0 $0x0, s1;
	[sflag:s0] =	ssyncset.done @!p0 $0x0  }
0xb4: {  	[sflag:s0] =	ssyncadd.s32 @!p0 s1  }
0xb5: {  	[bflag:$0x3] =	sbarrier.arrive $0xFFFF  }
0xb6: {  	_ =	shalt  }

</sc_bundles>
